<compile_context>
chip_gen: v7x
topology: tpu7x:2x2x1
jax: 0.10.2.dev20260603
libtpu: 0.0.44.dev20260713+nightly
codegen_flags: <defaults>
</compile_context>

<pallas_src>
import functools

import jax
import jax.numpy as jnp
from jax import lax
from jax.experimental import pallas as pl
from jax.experimental.pallas import tpu as pltpu
from jax.experimental.pallas import tpu_sc as plsc

B = 1024
T = 200
D = 768


def _build():
    info = plsc.get_sparse_core_info()
    NC, NS, L = info.num_cores, info.num_subcores, info.num_lanes
    NW = NC * NS
    nrows = 2 * B // NW

    mesh = plsc.VectorSubcoreMesh(core_axis_name="c", subcore_axis_name="s")

    @functools.partial(
        pl.kernel,
        mesh=mesh,
        out_type=jax.ShapeDtypeStruct((2 * B, D), jnp.float32),
        scratch_types=[
            pltpu.VMEM((nrows,), jnp.int32),
            pltpu.VMEM((nrows, D), jnp.float32),
            pltpu.SemaphoreType.DMA,
        ],
    )
    def k(table_hbm, idx_hbm, out_hbm, flat_v, rows_v, sem):
        wid = lax.axis_index("c") * NS + lax.axis_index("s")
        base = wid * nrows
        pltpu.sync_copy(idx_hbm.at[pl.ds(base, nrows)], flat_v)
        for i in range(nrows // L):
            j = base + i * L + lax.iota(jnp.int32, L)
            b = lax.shift_right_logical(j, 1)
            flat_v[pl.ds(i * L, L)] = b * T + flat_v[pl.ds(i * L, L)]
        pltpu.async_copy(table_hbm.at[flat_v], rows_v, sem).wait()
        pltpu.sync_copy(rows_v, out_hbm.at[pl.ds(base, nrows)])

    return k


_gather_kernel = _build()


def kernel(token_embeddings, indexes):
    table = token_embeddings.reshape(B * T, D)
    idx = jnp.swapaxes(indexes.astype(jnp.int32), 0, 1).reshape(2 * B)
    out = _gather_kernel(table, idx)
    return out.reshape(B, 2 * D)

# --- scband reference (transcript-rebuilt; emitter-appended) ---
"""Pipeline reference for scband-selector-21921513078814 (READ-ONLY COPY).

The authoritative reference and input builder live on the scoring server;
editing this copy changes nothing except your own understanding.
"""

import jax, jax.numpy as jnp
import numpy as np

def setup_inputs(seed: int = 0) -> dict:
    key = jax.random.key(seed)
    k1, k2 = jax.random.split(key)
    token_embeddings = jax.random.normal(k1, (1024, 200, 768), dtype=jnp.float32)
    indexes = jax.random.randint(k2, (2, 1024), 0, 200, dtype=jnp.int64) if jax.config.jax_enable_x64 else jax.random.randint(k2, (2, 1024), 0, 200, dtype=jnp.int32)
    return {"token_embeddings": token_embeddings, "indexes": indexes}

def reference(token_embeddings, indexes):
    # Faithful translation of Selector.forward: per-row token gather at two
    # positions, then concat -> sentence_embedding [B, 2*D].
    b = jnp.arange(token_embeddings.shape[0])
    s_tokens = token_embeddings[b, indexes[0]]
    o_tokens = token_embeddings[b, indexes[1]]
    sentence_embedding = jnp.concatenate([s_tokens, o_tokens], axis=1)
    return sentence_embedding

if __name__ == "__main__":
    import jax
    _d = setup_inputs()
    print(jax.jit(kernel)(*tuple(_d.values())))

</pallas_src>

<mosaic_0001>
#map = affine_map<(d0, d1) -> (0, 0)>
#map1 = affine_map<(d0, d1) -> (0)>
module attributes {stable_mosaic.version = 14 : i64} {
  func.func @k(%arg0: i32, %arg1: i32, %arg2: memref<204800x768xf32, #tpu.memory_space<hbm>>, %arg3: memref<2048xi32, #tpu.memory_space<hbm>>, %arg4: memref<2048x768xf32, #tpu.memory_space<hbm>>, %arg5: memref<64xi32, #tpu.memory_space<vmem>>, %arg6: memref<64x768xf32, #tpu.memory_space<vmem>>, %arg7: memref<!tpu.dma_semaphore, #tpu.memory_space<semaphore_mem>>) attributes {dimension_semantics = [#tpu.dimension_semantics<core_parallel>, #tpu.dimension_semantics<subcore_parallel>], iteration_bounds = array<i64: 2, 16>, scalar_prefetch = 0 : i64, scratch_operands = 3 : i64, tpu.core_type = #tpu.core_type<sc_vector_subcore>, window_params = [{transform_indices = #map}, {transform_indices = #map1}, {transform_indices = #map}]} {
    %mul3A = arith.constant 16 : i32
    %mul3A_0 = arith.muli %arg0, %mul3A : i32
    %add3A = arith.addi %mul3A_0, %arg1 : i32
    %mul3A_1 = arith.constant 64 : i32
    %mul3A_2 = arith.muli %add3A, %mul3A_1 : i32
    "tpu.region"() ({
      %run_scoped3A = tpu.sem_alloc : memref<!tpu.dma_semaphore, #tpu.memory_space<semaphore_mem>>
      %dma_start3A_79 = tpu.memref_slice %arg3[%mul3A_2] : memref<2048xi32, #tpu.memory_space<hbm>> -> memref<64xi32, #tpu.memory_space<hbm>>
      %dma_start3A_80 = tpu.memref_slice %arg3[%mul3A_2] : memref<2048xi32, #tpu.memory_space<hbm>> -> memref<64xi32, #tpu.memory_space<hbm>>
      tpu.enqueue_dma source(%dma_start3A_80 : memref<64xi32, #tpu.memory_space<hbm>>) target(%arg5 : memref<64xi32, #tpu.memory_space<vmem>>) target_semaphore(%run_scoped3A : memref<!tpu.dma_semaphore, #tpu.memory_space<semaphore_mem>>)
      %dma_wait3A_81 = tpu.memref_slice %arg3[%mul3A_2] : memref<2048xi32, #tpu.memory_space<hbm>> -> memref<64xi32, #tpu.memory_space<hbm>>
      %dma_wait3A_82 = tpu.memref_slice %arg3[%mul3A_2] : memref<2048xi32, #tpu.memory_space<hbm>> -> memref<64xi32, #tpu.memory_space<hbm>>
      tpu.wait_dma2 semaphore(%run_scoped3A : memref<!tpu.dma_semaphore, #tpu.memory_space<semaphore_mem>>) src(%dma_wait3A_82 : memref<64xi32, #tpu.memory_space<hbm>>) dst(%arg5 : memref<64xi32, #tpu.memory_space<vmem>>)
      tpu.yield
    }) : () -> ()
    %add3A_3 = arith.constant 0 : i32
    %add3A_4 = arith.addi %mul3A_2, %add3A_3 : i32
    %iota3A = tpu.iota {dimensions = array<i32: 0>} : vector<16xi32>
    %add3A_5 = vector.broadcast %add3A_4 : i32 to vector<16xi32>
    %add3A_6 = arith.addi %add3A_5, %iota3A : vector<16xi32>
    %shift_right_logical3A = arith.constant 1 : i32
    %shift_right_logical3A_7 = vector.broadcast %shift_right_logical3A : i32 to vector<16xi32>
    %shift_right_logical3A_8 = arith.shrui %add3A_6, %shift_right_logical3A_7 : vector<16xi32>
    %mul3A_9 = arith.constant 200 : i32
    %mul3A_10 = vector.broadcast %mul3A_9 : i32 to vector<16xi32>
    %mul3A_11 = arith.muli %shift_right_logical3A_8, %mul3A_10 : vector<16xi32>
    %get3A = arith.constant 0 : index
    %get3A_12 = tpu.vector_load %arg5[%get3A] {strides = array<i32>} : memref<64xi32, #tpu.memory_space<vmem>>, vector<16xi32>,
    %get3A_13 = vector.shape_cast %get3A_12 : vector<16xi32> to vector<16xi32>
    %add3A_14 = arith.addi %mul3A_11, %get3A_13 : vector<16xi32>
    %swap3A = arith.constant 0 : index
    %swap3A_15 = tpu.vector_load %arg5[%swap3A] {strides = array<i32>} : memref<64xi32, #tpu.memory_space<vmem>>, vector<16xi32>,
    %swap3A_16 = vector.shape_cast %swap3A_15 : vector<16xi32> to vector<16xi32>
    %swap3A_17 = vector.shape_cast %add3A_14 : vector<16xi32> to vector<16xi32>
    tpu.vector_store %arg5[%swap3A], %swap3A_17 {strides = array<i32>} : memref<64xi32, #tpu.memory_space<vmem>>, vector<16xi32>,
    %add3A_18 = arith.constant 16 : i32
    %add3A_19 = arith.addi %mul3A_2, %add3A_18 : i32
    %iota3A_20 = tpu.iota {dimensions = array<i32: 0>} : vector<16xi32>
    %add3A_21 = vector.broadcast %add3A_19 : i32 to vector<16xi32>
    %add3A_22 = arith.addi %add3A_21, %iota3A_20 : vector<16xi32>
    %shift_right_logical3A_23 = arith.constant 1 : i32
    %shift_right_logical3A_24 = vector.broadcast %shift_right_logical3A_23 : i32 to vector<16xi32>
    %shift_right_logical3A_25 = arith.shrui %add3A_22, %shift_right_logical3A_24 : vector<16xi32>
    %mul3A_26 = arith.constant 200 : i32
    %mul3A_27 = vector.broadcast %mul3A_26 : i32 to vector<16xi32>
    %mul3A_28 = arith.muli %shift_right_logical3A_25, %mul3A_27 : vector<16xi32>
    %get3A_29 = arith.constant 16 : index
    %get3A_30 = tpu.vector_load %arg5[%get3A_29] {strides = array<i32>} : memref<64xi32, #tpu.memory_space<vmem>>, vector<16xi32>,
    %get3A_31 = vector.shape_cast %get3A_30 : vector<16xi32> to vector<16xi32>
    %add3A_32 = arith.addi %mul3A_28, %get3A_31 : vector<16xi32>
    %swap3A_33 = arith.constant 16 : index
    %swap3A_34 = tpu.vector_load %arg5[%swap3A_33] {strides = array<i32>} : memref<64xi32, #tpu.memory_space<vmem>>, vector<16xi32>,
    %swap3A_35 = vector.shape_cast %swap3A_34 : vector<16xi32> to vector<16xi32>
    %swap3A_36 = vector.shape_cast %add3A_32 : vector<16xi32> to vector<16xi32>
    tpu.vector_store %arg5[%swap3A_33], %swap3A_36 {strides = array<i32>} : memref<64xi32, #tpu.memory_space<vmem>>, vector<16xi32>,
    %add3A_37 = arith.constant 32 : i32
    %add3A_38 = arith.addi %mul3A_2, %add3A_37 : i32
    %iota3A_39 = tpu.iota {dimensions = array<i32: 0>} : vector<16xi32>
    %add3A_40 = vector.broadcast %add3A_38 : i32 to vector<16xi32>
    %add3A_41 = arith.addi %add3A_40, %iota3A_39 : vector<16xi32>
    %shift_right_logical3A_42 = arith.constant 1 : i32
    %shift_right_logical3A_43 = vector.broadcast %shift_right_logical3A_42 : i32 to vector<16xi32>
    %shift_right_logical3A_44 = arith.shrui %add3A_41, %shift_right_logical3A_43 : vector<16xi32>
    %mul3A_45 = arith.constant 200 : i32
    %mul3A_46 = vector.broadcast %mul3A_45 : i32 to vector<16xi32>
    %mul3A_47 = arith.muli %shift_right_logical3A_44, %mul3A_46 : vector<16xi32>
    %get3A_48 = arith.constant 32 : index
    %get3A_49 = tpu.vector_load %arg5[%get3A_48] {strides = array<i32>} : memref<64xi32, #tpu.memory_space<vmem>>, vector<16xi32>,
    %get3A_50 = vector.shape_cast %get3A_49 : vector<16xi32> to vector<16xi32>
    %add3A_51 = arith.addi %mul3A_47, %get3A_50 : vector<16xi32>
    %swap3A_52 = arith.constant 32 : index
    %swap3A_53 = tpu.vector_load %arg5[%swap3A_52] {strides = array<i32>} : memref<64xi32, #tpu.memory_space<vmem>>, vector<16xi32>,
    %swap3A_54 = vector.shape_cast %swap3A_53 : vector<16xi32> to vector<16xi32>
    %swap3A_55 = vector.shape_cast %add3A_51 : vector<16xi32> to vector<16xi32>
    tpu.vector_store %arg5[%swap3A_52], %swap3A_55 {strides = array<i32>} : memref<64xi32, #tpu.memory_space<vmem>>, vector<16xi32>,
    %add3A_56 = arith.constant 48 : i32
    %add3A_57 = arith.addi %mul3A_2, %add3A_56 : i32
    %iota3A_58 = tpu.iota {dimensions = array<i32: 0>} : vector<16xi32>
    %add3A_59 = vector.broadcast %add3A_57 : i32 to vector<16xi32>
    %add3A_60 = arith.addi %add3A_59, %iota3A_58 : vector<16xi32>
    %shift_right_logical3A_61 = arith.constant 1 : i32
    %shift_right_logical3A_62 = vector.broadcast %shift_right_logical3A_61 : i32 to vector<16xi32>
    %shift_right_logical3A_63 = arith.shrui %add3A_60, %shift_right_logical3A_62 : vector<16xi32>
    %mul3A_64 = arith.constant 200 : i32
    %mul3A_65 = vector.broadcast %mul3A_64 : i32 to vector<16xi32>
    %mul3A_66 = arith.muli %shift_right_logical3A_63, %mul3A_65 : vector<16xi32>
    %get3A_67 = arith.constant 48 : index
    %get3A_68 = tpu.vector_load %arg5[%get3A_67] {strides = array<i32>} : memref<64xi32, #tpu.memory_space<vmem>>, vector<16xi32>,
    %get3A_69 = vector.shape_cast %get3A_68 : vector<16xi32> to vector<16xi32>
    %add3A_70 = arith.addi %mul3A_66, %get3A_69 : vector<16xi32>
    %swap3A_71 = arith.constant 48 : index
    %swap3A_72 = tpu.vector_load %arg5[%swap3A_71] {strides = array<i32>} : memref<64xi32, #tpu.memory_space<vmem>>, vector<16xi32>,
    %swap3A_73 = vector.shape_cast %swap3A_72 : vector<16xi32> to vector<16xi32>
    %swap3A_74 = vector.shape_cast %add3A_70 : vector<16xi32> to vector<16xi32>
    tpu.vector_store %arg5[%swap3A_71], %swap3A_74 {strides = array<i32>} : memref<64xi32, #tpu.memory_space<vmem>>, vector<16xi32>,
    %dma_start3A = arith.constant 0 : i32
    %dma_start3A_75 = arith.constant 0 : i32
    %dma_start3A_76 = tpu.memref_slice %arg2[%dma_start3A, %dma_start3A_75] : memref<204800x768xf32, #tpu.memory_space<hbm>> -> memref<204800x768xf32, #tpu.memory_space<hbm>>
    tpu.enqueue_indirect_dma source(%dma_start3A_76 : memref<204800x768xf32, #tpu.memory_space<hbm>>) target(%arg6 : memref<64x768xf32, #tpu.memory_space<vmem>>) offsets(%arg5 : memref<64xi32, #tpu.memory_space<vmem>>) semaphore(%arg7 : memref<!tpu.dma_semaphore, #tpu.memory_space<semaphore_mem>>)
    %dma_wait3A = arith.constant 0 : i32
    %dma_wait3A_77 = arith.constant 0 : i32
    %dma_wait3A_78 = tpu.memref_slice %arg2[%dma_wait3A, %dma_wait3A_77] : memref<204800x768xf32, #tpu.memory_space<hbm>> -> memref<204800x768xf32, #tpu.memory_space<hbm>>
    tpu.wait_indirect_dma semaphore(%arg7 : memref<!tpu.dma_semaphore, #tpu.memory_space<semaphore_mem>>) src(%dma_wait3A_78 : memref<204800x768xf32, #tpu.memory_space<hbm>>) dst(%arg6 : memref<64x768xf32, #tpu.memory_space<vmem>>)
    "tpu.region"() ({
      %run_scoped3A = tpu.sem_alloc : memref<!tpu.dma_semaphore, #tpu.memory_space<semaphore_mem>>
      %dma_start3A_79 = arith.constant 0 : i32
      %dma_start3A_80 = tpu.memref_slice %arg4[%mul3A_2, %dma_start3A_79] : memref<2048x768xf32, #tpu.memory_space<hbm>> -> memref<64x768xf32, #tpu.memory_space<hbm>>
      %dma_start3A_81 = arith.constant 0 : i32
      %dma_start3A_82 = tpu.memref_slice %arg4[%mul3A_2, %dma_start3A_81] : memref<2048x768xf32, #tpu.memory_space<hbm>> -> memref<64x768xf32, #tpu.memory_space<hbm>>
      tpu.enqueue_dma source(%arg6 : memref<64x768xf32, #tpu.memory_space<vmem>>) target(%dma_start3A_82 : memref<64x768xf32, #tpu.memory_space<hbm>>) target_semaphore(%run_scoped3A : memref<!tpu.dma_semaphore, #tpu.memory_space<semaphore_mem>>)
      %dma_wait3A_83 = arith.constant 0 : i32
      %dma_wait3A_84 = tpu.memref_slice %arg4[%mul3A_2, %dma_wait3A_83] : memref<2048x768xf32, #tpu.memory_space<hbm>> -> memref<64x768xf32, #tpu.memory_space<hbm>>
      %dma_wait3A_85 = arith.constant 0 : i32
      %dma_wait3A_86 = tpu.memref_slice %arg4[%mul3A_2, %dma_wait3A_85] : memref<2048x768xf32, #tpu.memory_space<hbm>> -> memref<64x768xf32, #tpu.memory_space<hbm>>
      tpu.wait_dma2 semaphore(%run_scoped3A : memref<!tpu.dma_semaphore, #tpu.memory_space<semaphore_mem>>) src(%arg6 : memref<64x768xf32, #tpu.memory_space<vmem>>) dst(%dma_wait3A_86 : memref<64x768xf32, #tpu.memory_space<hbm>>)
      tpu.yield
    }) : () -> ()
    return
  }
}

</mosaic_0001>

<sc_bundles>
// kernel: kernel.3.cloned.1.call-start
scs
__scs_entry_jumppad:
0x0: {  	(pc) =	sbr.rel $0x88, $3  }
0x1: {  	(tag) =	ssettag $0x0;
	lr =	simm.s32 $0x1  }
0x2: {  	[smem:$0x3F9F] =	sst lr;
	_ =	strace $0xD0000000  }
0x3: {  	_ = 	snop  }
0x4: {  	_ = 	snop  }
0x5: {  	_ = 	snop  }
0x6: {  	_ = 	snop  }
0x7: {  	_ = 	snop  }
__scs_overlays_trampoline_lowered:
0x8: {  	[smem:$0x3FAE] =	sst s0  }
0x9: {  	[smem:$0x3FAF] =	sst s1  }
0xa: {  	[smem:$0x3FB0] =	sst s2  }
0xb: {  	[smem:$0x3FB1] =	sst s3  }
0xc: {  	[smem:$0x3FB2] =	sst s4  }
0xd: {  	[smem:$0x3FB3] =	sst s5  }
0xe: {  	[smem:$0x3FB4] =	sst s6  }
0xf: {  	[smem:$0x3FB5] =	sst s7  }
0x10: {  	[smem:$0x3FB6] =	sst s8  }
0x11: {  	[smem:$0x3FB7] =	sst s9;
	s0 =	simm.s32 @!p0 $0x0  }
0x12: {  	s1 =	sld [smem:$0x3F9D];
	s0 =	simm.s32 @p0 $0x1  }
0x13: {  	[smem:$0x3FB8] =	sst s0;
	s0 =	simm.s32 @!p1 $0x0  }
0x14: {  	s2 =	sld [smem:$0x3F9C];
	s0 =	simm.s32 @p1 $0x1  }
0x15: {  	[smem:$0x3FB9] =	sst s0;
	s0 =	simm.s32 @!p2 $0x0  }
0x16: {  	s3 =	sld [smem:$0x3FDB];
	s0 =	simm.s32 @p2 $0x1  }
0x17: {  	s4 =	simm.s32 $0x1BF5;
	[smem:$0x3FBB] =	sst s0  }
0x18: {  	s0 =	sld [smem:$0x3F9E];
	_ =	swait.ge [sflag:s4], $0x0  }
0x19: {  	s7 =	sld [smem:$0x3F9F]  }
0x1a: {  	s8 =	sadd.s32 $0xFFFFE003, lr  }
0x1b: {  	s9 =	sadd.s32 $0xFFFFFEF7, lr;
	s5 =	simm.s32 $0xFFFFFFFF;
	p2 =	slt.u32 s8, $0xFFFFF086  }
0x1c: {  	p1 =	slt.u32 s9, $0xF7A;
	s5 =	simm.s32 @!p2 $0x0  }
0x1d: {  	s5 =	simm.s32 @p1 $0x1;
	p0 =	seq.s32 s7, s2  }
0x1e: {  	s7 =	smul.u32 @!p0 $0xF7A, s2;
	p2 =	seq.s32 @!p0 s5, $0x0  }
0x1f: {  	s9 =	smul.u32 $0xF7A, s1;
	s8 =	simm.s32 @!p0 $0x1BF5;
	p2 =	por !p2, p0  }
0x20: {  	[sflag:s8] =	ssyncset.s32 @!p0 $0xFFFFF086;
	s6 =	sadd.s32 @!p0 s3, s7;
	s7 =	simm.s32 @!p0 $0x108  }
0x21: {  	s3 =	sadd.s32 s3, s9;
	s6 =	sadd.s32 @!p0 $0x88, s6;
	s7 =	simm.s32 @p2 $0x1082  }
0x22: {  	[simem:s7], [sflag:s8] =	dma.local @!p0 [hbm:s6], $0xF7A  }
0x23: {  	s9 =	sor.u32 $0xD0000000, s2;
	s6 =	simm.s32 $0x108;
	_ =	swait.ge @!p0 [sflag:s8], $0x0  }
0x24: {  	s3 =	sadd.s32 $0x88, s3;
	s6 =	simm.s32 @!p1 $0x1082;
	[sflag:s4] =	ssyncset.s32 $0xFFFFF086  }
0x25: {  	[simem:s6], [sflag:s4] =	dma.local [hbm:s3], $0xF7A  }
0x26: {  	[smem:$0x3F9F] =	sst s1;
	(tag) =	ssettag s2;
	_ =	strace s9  }
0x27: {  	s1 =	sld [smem:$0x3FAF]  }
0x28: {  	s2 =	sld [smem:$0x3FB0]  }
0x29: {  	s4 =	sld [smem:$0x3FB2]  }
0x2a: {  	p0 =	seq.s32 s5, $0x0;
	s5 =	sld [smem:$0x3FB3]  }
0x2b: {  	s6 =	sld [smem:$0x3FB4]  }
0x2c: {  	s7 =	sld [smem:$0x3FB5]  }
0x2d: {  	s3 =	simm.s32 $0x108;
	s8 =	sld [smem:$0x3FB6]  }
0x2e: {  	s3 =	simm.s32 @!p0 $0x1082;
	s9 =	sld [smem:$0x3FB7]  }
0x2f: {  	lr =	sadd.s32 s0, s3;
	s0 =	sld [smem:$0x3FAE]  }
0x30: {  	s3 =	sld [smem:$0x3FB1]  }
0x31: {  	[smem:$0x3FBA] =	sst s10  }
0x32: {  	s10 =	sld [smem:$0x3FB8];
	_ =	sdelay $0x3  }
0x33: {  	p0 =	seq.s32 s10, $0x1;
	s10 =	sld [smem:$0x3FBA];
	_ =	sdelay $0x3  }
0x34: {  	[smem:$0x3FBA] =	sst s10  }
0x35: {  	s10 =	sld [smem:$0x3FB9];
	_ =	sdelay $0x3  }
0x36: {  	p1 =	seq.s32 s10, $0x1;
	s10 =	sld [smem:$0x3FBA];
	_ =	sdelay $0x3  }
0x37: {  	[smem:$0x3FBA] =	sst s10  }
0x38: {  	s10 =	sld [smem:$0x3FBB]  }
0x39: {  	_ = 	snop;
	(pc) =	sbr.ind lr, $3  }
0x3a: {  	_ = 	snop  }
0x3b: {  	_ = 	snop  }
0x3c: {  	p2 =	seq.s32 s10, $0x1;
	s10 =	sld [smem:$0x3FBA]  }
0x3d: {  	_ =	shalt  }
0x3e: {  	_ =	shalt  }
0x3f: {  	_ =	shalt  }
0x40: {  	_ =	shalt  }
0x41: {  	_ =	shalt  }
0x42: {  	_ =	shalt  }
0x43: {  	_ =	shalt  }
0x44: {  	_ =	shalt  }
0x45: {  	_ =	shalt  }
0x46: {  	_ =	shalt  }
0x47: {  	_ =	shalt  }
0x48: {  	_ =	shalt  }
0x49: {  	_ =	shalt  }
0x4a: {  	_ =	shalt  }
0x4b: {  	_ =	shalt  }
0x4c: {  	_ =	shalt  }
0x4d: {  	_ =	shalt  }
0x4e: {  	_ =	shalt  }
0x4f: {  	_ =	shalt  }
0x50: {  	_ =	shalt  }
0x51: {  	_ =	shalt  }
0x52: {  	_ =	shalt  }
0x53: {  	_ =	shalt  }
0x54: {  	_ =	shalt  }
0x55: {  	_ =	shalt  }
0x56: {  	_ =	shalt  }
0x57: {  	_ =	shalt  }
0x58: {  	_ =	shalt  }
0x59: {  	_ =	shalt  }
0x5a: {  	_ =	shalt  }
0x5b: {  	_ =	shalt  }
0x5c: {  	_ =	shalt  }
0x5d: {  	_ =	shalt  }
0x5e: {  	_ =	shalt  }
0x5f: {  	_ =	shalt  }
0x60: {  	_ =	shalt  }
0x61: {  	_ =	shalt  }
0x62: {  	_ =	shalt  }
0x63: {  	_ =	shalt  }
0x64: {  	_ =	shalt  }
0x65: {  	_ =	shalt  }
0x66: {  	_ =	shalt  }
0x67: {  	_ =	shalt  }
0x68: {  	_ =	shalt  }
0x69: {  	_ =	shalt  }
0x6a: {  	_ =	shalt  }
0x6b: {  	_ =	shalt  }
0x6c: {  	_ =	shalt  }
0x6d: {  	_ =	shalt  }
0x6e: {  	_ =	shalt  }
0x6f: {  	_ =	shalt  }
0x70: {  	_ =	shalt  }
0x71: {  	_ =	shalt  }
0x72: {  	_ =	shalt  }
0x73: {  	_ =	shalt  }
0x74: {  	_ =	shalt  }
0x75: {  	_ =	shalt  }
0x76: {  	_ =	shalt  }
0x77: {  	_ =	shalt  }
0x78: {  	_ =	shalt  }
0x79: {  	_ =	shalt  }
0x7a: {  	_ =	shalt  }
0x7b: {  	_ =	shalt  }
0x7c: {  	_ =	shalt  }
0x7d: {  	_ =	shalt  }
0x7e: {  	_ =	shalt  }
0x7f: {  	_ =	shalt  }
0x80: {  	_ =	shalt  }
0x81: {  	_ =	shalt  }
0x82: {  	_ =	shalt  }
0x83: {  	_ =	shalt  }
0x84: {  	_ =	shalt  }
0x85: {  	_ =	shalt  }
0x86: {  	_ =	shalt  }
0x87: {  	_ =	shalt  }
.Lfunc_end0:
.L_simem_size_0:
called_computation_lowered:
.L_overlay_start_0:
0x88: {  	s2 =	sld [smem:$0x3FD9]  }
0x89: {  	s3 =	sld [smem:$0x3FFE];
	_ =	sdelay $0x1  }
0x8a: {  	s1 =	srdreg.scid  }
0x8b: {  	s0 =	sand.u32 $0x1, s1  }
0x8c: {  	s17 =	sshll.u32 s0, $0xA;
	s2 =	sadd.s32 s3, s2  }
0x8d: {  	s2 =	sadd.s32 s2, s17  }
0x8e: {  	[smem:$0x3FC6] =	sst s2  }
0x8f: {  	_ = 	snop  }
0x90: {  	s2 =	sld [smem:$0x3FC9]  }
0x91: {  	s18 =	sld [smem:$0x3FD0];
	(tm) =	ssettm $0x1  }
0x92: {  	s4 =	sld [smem:$0x3FFB];
	_ =	sdelay $0x3  }
0x93: {  	_ =	strace s4  }
0x94: {  	s4 =	sld [smem:$0x3FFC];
	_ =	sdelay $0x3  }
0x95: {  	_ =	strace s4  }
0x96: {  	s4 =	sld [smem:$0x3FFD];
	_ =	sdelay $0x3  }
0x97: {  	_ =	strace s4  }
0x98: {  	_ =	strace $0x8FFFFFFF  }
0x99: {  	s19 =	sld [smem:$0x3FDB];
	_ =	sdelay $0x1  }
0x9a: {  	s5 =	simm.s32 $_scs_section_size  }
0x9b: {  	s6 =	simm.s32 $_size__tile_overlayer_lowered;
	s7 =	simm.s32 $_tile_overlayer_lowered  }
0x9c: {  	s22 =	simm.s32 $0x1BFF;
	s21 =	sshll.u32 s7, $0x1;
	s4 =	sadd.s32 s5, s19  }
0x9d: {  	s8 =	simm.s32 $0x0;
	s20 =	sshll.u32 s6, $0x1;
	s6 =	sadd.s32 s21, s4  }
0x9e: {  	[timem:s8], [sflag:s22] =	dma.local [hbm:s6], s20  }
0x9f: {  	_ =	swait.ge [sflag:s22], s20  }
0xa0: {  	s5 =	ssub.s32 $0x0, s20;
	[sflag:s22] =	ssyncset.done $0x0  }
0xa1: {  	[sflag:s22] =	ssyncadd.s32 s5;
	_ =	sdelay $0x1  }
0xa2: {  	s23 =	simm.s32 $0x1B8B  }
0xa3: {  	_ =	swait.ge [sflag:s23], $0x1  }
0xa4: {  	[sflag:s23] =	ssyncset.done $0x0  }
0xa5: {  	s25 =	simm.s32 $0x1B8E;
	s24 =	sld [smem:$0x3FFE];
	[sflag:s23] =	ssyncadd.s32 $0xFFFFFFFF  }
0xa6: {  	s26 =	simm.s32 $execute0_lowered;
	[smem:$0x3FD2] =	sst s25  }
0xa7: {  	s6 =	sshll.u32 s26, $0x1;
	_ =	strace $0x80000046;
	[dreg:$0x1] =	wrdreg $0xFFFFFFFF  }
0xa8: {  	s28 =	simm.s32 $_size_execute0_lowered;
	s4 =	sadd.s32 s4, s6;
	[dreg:$0x0] =	wrdreg $0x0  }
0xa9: {  	s6 =	sshll.u32 s28, $0x1;
	[dreg:$0x2] =	wrdreg s4  }
0xaa: {  	[dreg:$0x3] =	wrdreg s6  }
0xab: {  	[dreg:$0x4] =	wrdreg $0xC0  }
0xac: {  	_ =	task [dreg:s8], $0x5FFFF  }
0xad: {  	[dreg:$0x1] =	wrdreg $0xFFFFFFFF  }
0xae: {  	[dreg:$0x0] =	wrdreg $0x60  }
0xaf: {  	[dreg:$0x2] =	wrdreg s2  }
0xb0: {  	[dreg:$0x3] =	wrdreg s18  }
0xb1: {  	[dreg:$0x4] =	wrdreg s24  }
0xb2: {  	[dreg:$0x5] =	wrdreg $0x9  }
0xb3: {  	_ =	task.clear_ibuf [dreg:s8], $0x6FFFF;
	_ =	strace $0x90000046  }
0xb4: {  	s29 =	simm.s32 $0x9;
	_ =	strace $0x80000048  }
0xb5: {  	_ =	swait.ge [sflag:s29], $0x1  }
0xb6: {  	[sflag:s29] =	ssyncadd.s32 $0xFFFFFFFF  }
0xb7: {  	_ =	strace $0x90000048  }
0xb8: {  	_ =	sfence  }
0xb9: {  	s30 =	sld [smem:$0x0];
	_ =	sdelay $0x2  }
0xba: {  	s31 =	sshll.u32 s1, $0xD;
	s1 =	sshrl.u32 s1, $0x2  }
0xbb: {  	s3 =	sand.u32 $0x4000, s31;
	s1 =	sadd.s32 s1, s30  }
0xbc: {  	s0 =	sor.u32 s3, s0;
	s1 =	sshll.u32 s1, $0x11  }
0xbd: {  	s0 =	sor.u32 s1, s0  }
0xbe: {  	s0 =	sadd.s32 $0x8F2B, s0  }
0xbf: {  	[sflag:s0] =	ssyncadd.remote.s32 $0x1  }
0xc0: {  	_ =	sfence.sel $0xFFFF  }
0xc1: {  	[dreg:$0x0] =	wrdreg $0xFFFFFFFF;
	(pc) =	sbr.abs _section_cstart, $3  }
0xc2: {  	[dreg:$0x1] =	wrdreg $0xFFFFFFFF  }
0xc3: {  	_ =	task.clear_ibuf [dreg:s8], $0x2FFFF;
	_ =	strace $0x9FFFFFFF  }
0xc4: {  	(tm) =	ssettm $0x7FFFFFFF  }
0xc5: {  	_ =	shalt  }
tec
execute0_lowered:
.L_overlay_start_1:
0x0: {  	(tag) =	ssettag $0x1  }
0x1: {  	s2 =	srdreg.scid;
	s1 =	rddreg [dreg:$0x0]  }
0x2: {  	s0 =	stileid.u32;
	s4 =	rddreg [dreg:$0x1]  }
0x3: {  	s6 =	rddreg [dreg:$0x2];
	s26 =	simm.s32 $0x880;
	s9 =	simm.s32 $0x1080  }
0x4: {  	s10 =	simm.s32 $0x1880;
	s12 =	simm.s32 $0x2880;
	s13 =	simm.s32 $0x3080  }
0x5: {  	s14 =	simm.s32 $0x3880;
	s15 =	simm.s32 $0x4080;
	s16 =	simm.s32 $0x4880  }
0x6: {  	s19 =	simm.s32 $0x6080;
	s21 =	simm.s32 $0x7080;
	s22 =	simm.s32 $0x7880  }
0x7: {  	s23 =	simm.s32 $0x8080;
	s24 =	simm.s32 $0x8880;
	s25 =	simm.s32 $0x9080  }
0x8: {  	s28 =	simm.s32 $0xA080;
	s29 =	simm.s32 $0xA880;
	s2 =	sand.u32 $0x1, s2  }
0x9: {  	s30 =	simm.s32 $0xB080;
	s5 =	sshll.u32 s0, $0x6;
	s3 =	sshll.u32 s2, $0xA  }
0xa: {  	s31 =	simm.s32 $0xB880;
	s2 =	ssub.s32 $0x2, s2;
	s11 =	sor.u32 s5, s3  }
0xb: {  	s3 =	simm.s32 $0x0;
	s8 =	sshrl.u32 s2, $0x1;
	s5 =	sshrl.u32 s11, $0x3  }
0xc: {  	[smem:$0x7FF] =	sst s3;
	s2 =	ssub.s32 s2, s8;
	s17 =	sor.u32 $0x10, s11  }
0xd: {  	v6 =	vlaneseq.u32;
	s18 =	sor.u32 $0x20, s11;
	s20 =	sor.u32 $0x30, s11;
	s8 =	simm.s32 $0x80  }
0xe: {  	vm0 =	vmmov $0xffff;
	v0 =	vor.u32 s11, v6;
	s11 =	simm.s32 $0x2080;
	s7 =	smul.u32 $0x300, s5;
	_ =	strace $0x80000047  }
0xf: {  	v4 =	vand.u32 $0x7, v6;
	v5 =	vshrl.u32 v6, $0x3;
	s4 =	sadd.s32 s4, s5;
	s5 =	sadd.s32 $0x200, s1;
	[dreg:$0x6] =	wrdreg s26;
	v0 =	vshrl.u32 v0, $0x1  }
0x10: {  	v1 =	vor.u32 s17, v6;
	v2 =	vor.u32 s18, v6;
	s17 =	simm.s32 $0x5080;
	s18 =	simm.s32 $0x5880;
	v3 =	vor.u32 s20, v6;
	s20 =	simm.s32 $0x6880  }
0x11: {  	v5 =	vmul.u32 $0x8, v5;
	s26 =	simm.s32 $0x9880;
	v6 =	vor.u32 $0x8, v6;
	[dreg:$0x4] =	wrdreg s4;
	v0 =	vmul.u32 $0xC8, v0;
	s6 =	sadd.s32 s7, s6  }
0x12: {  	s4 =	sadd.s32 $0x100, s1;
	v1 =	vshrl.u32 v1, $0x1;
	v2 =	vshrl.u32 v2, $0x1;
	v3 =	vshrl.u32 v3, $0x1;
	s7 =	simm.s32 $0x2;
	s6 =	sadd.s32 $0x400, s6  }
0x13: {  	v1 =	vmul.u32 $0xC8, v1;
	v2 =	vmul.u32 $0xC8, v2;
	v3 =	vmul.u32 $0xC8, v3;
	[dreg:$0x5] =	wrdreg s6;
	s6 =	smax.u32 s2, $0x1;
	s2 =	simm.s32 $0x1  }
.LBB2_1:
0x14: {  	s0 =	rddreg [dreg:$0x4]  }
0x15: {  	[tilespmem:s3], [sflag:$0x2] =	stream.linear.gather [hbm4b:s0+s3], $0x40, $0x38;
	[tilespmem:$0xC080] =	vst v63  }
0x16: {  	_ =	swait.ge [sflag:s7], $0x40  }
0x17: {  	[sflag:s7] =	ssyncset.done $0x0  }
0x18: {  	[sflag:s7] =	ssyncadd.s32 $0xFFFFFFC0  }
0x19: {  	v7 =	vld [tilespmem:$0x0];
	_ =	sdelay $0x4  }
0x1a: {  	v8 =	vadd.s32 v0, v7  }
0x1b: {  	v9 =	vshrl.u32 v8, $0x3  }
0x1c: {  	v9 =	vmul.u32 $0x30, v9  }
0x1d: {  	v10 =	vld [tilespmem:$0x10];
	v7 =	vand.u32 $0x7, v7  }
0x1e: {  	v11 =	vld [tilespmem:$0x20];
	v7 =	vor.u32 v7, v9  }
0x1f: {  	v63 =	vld [tilespmem:$0x30];
	v12 =	vperm.xlane v7, v4;
	_ =	sdelay $0x1  }
0x20: {  	v12 =	vadd.s32 v5, v12  }
0x21: {  	[tilespmem:$0x0] =	vst v8;
	v8 =	vadd.s32 v1, v10  }
0x22: {  	[tilespmem:$0x10] =	vst v8;
	v8 =	vadd.s32 v2, v11  }
0x23: {  	[tilespmem:$0x20] =	vst v8;
	v8 =	vadd.s32 v3, v63  }
0x24: {  	[tilespmem:$0x30] =	vst v8;
	v7 =	vperm.xlane v7, v6  }
0x25: {  	[tilespmem:s8], [sflag:$0x1] =	stream.indirect_vreg.gather [hbm4b:s1+s3], $0x80, v12, vm0, $0xb8;
	[tilespmem:$0xC080] =	vst v63  }
0x26: {  	s0 =	rddreg [dreg:$0x6];
	v7 =	vadd.s32 v5, v7  }
0x27: {  	[tilespmem:s0], [sflag:$0x1] =	stream.indirect_vreg.gather [hbm4b:s4+s3], $0x80, v12, vm0, $0xb8;
	[tilespmem:$0xC080] =	vst v63  }
0x28: {  	_ = 	snop  }
0x29: {  	[tilespmem:s9], [sflag:$0x1] =	stream.indirect_vreg.gather [hbm4b:s5+s3], $0x80, v12, vm0, $0xb8;
	[tilespmem:$0xC080] =	vst v63  }
0x2a: {  	_ = 	snop  }
0x2b: {  	[tilespmem:s10], [sflag:$0x1] =	stream.indirect_vreg.gather [hbm4b:s1+s3], $0x80, v7, vm0, $0xb8;
	[tilespmem:$0xC080] =	vst v63  }
0x2c: {  	_ = 	snop  }
0x2d: {  	[tilespmem:s11], [sflag:$0x1] =	stream.indirect_vreg.gather [hbm4b:s4+s3], $0x80, v7, vm0, $0xb8;
	[tilespmem:$0xC080] =	vst v63  }
0x2e: {  	_ = 	snop  }
0x2f: {  	[tilespmem:s12], [sflag:$0x1] =	stream.indirect_vreg.gather [hbm4b:s5+s3], $0x80, v7, vm0, $0xb8;
	[tilespmem:$0xC080] =	vst v63  }
0x30: {  	v7 =	vld [tilespmem:$0x10];
	_ =	sdelay $0x4  }
0x31: {  	v8 =	vshrl.u32 v7, $0x3  }
0x32: {  	v8 =	vmul.u32 $0x30, v8  }
0x33: {  	v7 =	vand.u32 $0x7, v7  }
0x34: {  	v7 =	vor.u32 v7, v8  }
0x35: {  	v8 =	vperm.xlane v7, v4;
	_ =	sdelay $0x1  }
0x36: {  	v8 =	vadd.s32 v5, v8;
	_ =	sdelay $0x3  }
0x37: {  	v7 =	vperm.xlane v7, v6  }
0x38: {  	[tilespmem:s13], [sflag:$0x1] =	stream.indirect_vreg.gather [hbm4b:s1+s3], $0x80, v8, vm0, $0xb8;
	[tilespmem:$0xC080] =	vst v63  }
0x39: {  	v7 =	vadd.s32 v5, v7  }
0x3a: {  	[tilespmem:s14], [sflag:$0x1] =	stream.indirect_vreg.gather [hbm4b:s4+s3], $0x80, v8, vm0, $0xb8;
	[tilespmem:$0xC080] =	vst v63  }
0x3b: {  	_ = 	snop  }
0x3c: {  	[tilespmem:s15], [sflag:$0x1] =	stream.indirect_vreg.gather [hbm4b:s5+s3], $0x80, v8, vm0, $0xb8;
	[tilespmem:$0xC080] =	vst v63  }
0x3d: {  	_ = 	snop  }
0x3e: {  	[tilespmem:s16], [sflag:$0x1] =	stream.indirect_vreg.gather [hbm4b:s1+s3], $0x80, v7, vm0, $0xb8;
	[tilespmem:$0xC080] =	vst v63  }
0x3f: {  	_ = 	snop  }
0x40: {  	[tilespmem:s17], [sflag:$0x1] =	stream.indirect_vreg.gather [hbm4b:s4+s3], $0x80, v7, vm0, $0xb8;
	[tilespmem:$0xC080] =	vst v63  }
0x41: {  	_ = 	snop  }
0x42: {  	[tilespmem:s18], [sflag:$0x1] =	stream.indirect_vreg.gather [hbm4b:s5+s3], $0x80, v7, vm0, $0xb8;
	[tilespmem:$0xC080] =	vst v63  }
0x43: {  	v7 =	vld [tilespmem:$0x20];
	_ =	sdelay $0x4  }
0x44: {  	v8 =	vshrl.u32 v7, $0x3  }
0x45: {  	v8 =	vmul.u32 $0x30, v8  }
0x46: {  	v7 =	vand.u32 $0x7, v7  }
0x47: {  	v7 =	vor.u32 v7, v8  }
0x48: {  	v8 =	vperm.xlane v7, v4;
	_ =	sdelay $0x1  }
0x49: {  	v8 =	vadd.s32 v5, v8;
	_ =	sdelay $0x3  }
0x4a: {  	v7 =	vperm.xlane v7, v6  }
0x4b: {  	[tilespmem:s19], [sflag:$0x1] =	stream.indirect_vreg.gather [hbm4b:s1+s3], $0x80, v8, vm0, $0xb8;
	[tilespmem:$0xC080] =	vst v63  }
0x4c: {  	v7 =	vadd.s32 v5, v7  }
0x4d: {  	[tilespmem:s20], [sflag:$0x1] =	stream.indirect_vreg.gather [hbm4b:s4+s3], $0x80, v8, vm0, $0xb8;
	[tilespmem:$0xC080] =	vst v63  }
0x4e: {  	_ = 	snop  }
0x4f: {  	[tilespmem:s21], [sflag:$0x1] =	stream.indirect_vreg.gather [hbm4b:s5+s3], $0x80, v8, vm0, $0xb8;
	[tilespmem:$0xC080] =	vst v63  }
0x50: {  	_ = 	snop  }
0x51: {  	[tilespmem:s22], [sflag:$0x1] =	stream.indirect_vreg.gather [hbm4b:s1+s3], $0x80, v7, vm0, $0xb8;
	[tilespmem:$0xC080] =	vst v63  }
0x52: {  	_ = 	snop  }
0x53: {  	[tilespmem:s23], [sflag:$0x1] =	stream.indirect_vreg.gather [hbm4b:s4+s3], $0x80, v7, vm0, $0xb8;
	[tilespmem:$0xC080] =	vst v63  }
0x54: {  	_ = 	snop  }
0x55: {  	[tilespmem:s24], [sflag:$0x1] =	stream.indirect_vreg.gather [hbm4b:s5+s3], $0x80, v7, vm0, $0xb8;
	[tilespmem:$0xC080] =	vst v63  }
0x56: {  	v7 =	vld [tilespmem:$0x30];
	_ =	sdelay $0x4  }
0x57: {  	v8 =	vshrl.u32 v7, $0x3  }
0x58: {  	v8 =	vmul.u32 $0x30, v8  }
0x59: {  	v7 =	vand.u32 $0x7, v7  }
0x5a: {  	v7 =	vor.u32 v7, v8  }
0x5b: {  	v8 =	vperm.xlane v7, v4;
	_ =	sdelay $0x1  }
0x5c: {  	v8 =	vadd.s32 v5, v8;
	_ =	sdelay $0x3  }
0x5d: {  	v7 =	vperm.xlane v7, v6  }
0x5e: {  	[tilespmem:s25], [sflag:$0x1] =	stream.indirect_vreg.gather [hbm4b:s1+s3], $0x80, v8, vm0, $0xb8;
	[tilespmem:$0xC080] =	vst v63  }
0x5f: {  	v7 =	vadd.s32 v5, v7  }
0x60: {  	[tilespmem:s26], [sflag:$0x1] =	stream.indirect_vreg.gather [hbm4b:s4+s3], $0x80, v8, vm0, $0xb8;
	[tilespmem:$0xC080] =	vst v63  }
0x61: {  	_ = 	snop  }
0x62: {  	[tilespmem:s28], [sflag:$0x1] =	stream.indirect_vreg.gather [hbm4b:s5+s3], $0x80, v8, vm0, $0xb8;
	[tilespmem:$0xC080] =	vst v63  }
0x63: {  	_ = 	snop  }
0x64: {  	[tilespmem:s29], [sflag:$0x1] =	stream.indirect_vreg.gather [hbm4b:s1+s3], $0x80, v7, vm0, $0xb8;
	[tilespmem:$0xC080] =	vst v63  }
0x65: {  	_ = 	snop  }
0x66: {  	[tilespmem:s30], [sflag:$0x1] =	stream.indirect_vreg.gather [hbm4b:s4+s3], $0x80, v7, vm0, $0xb8;
	[tilespmem:$0xC080] =	vst v63  }
0x67: {  	_ = 	snop  }
0x68: {  	[tilespmem:s31], [sflag:$0x1] =	stream.indirect_vreg.gather [hbm4b:s5+s3], $0x80, v7, vm0, $0xb8;
	[tilespmem:$0xC080] =	vst v63  }
0x69: {  	_ =	swait.ge [sflag:s2], $0xC000  }
0x6a: {  	p0 =	sne.s32 s6, $0x1;
	[sflag:s2] =	ssyncset.done $0x0  }
.Ltmp0:
0x6b: {  	s0 =	rddreg [dreg:$0x5];
	[sflag:s2] =	ssyncadd.s32 $0xFFFF4000;
	(pc) =	sbr.rel @p0 .LBB2_1-.Ltmp0, $4  }
0x6c: {  	[hbm4b:s0+s3] =	stream.linear.scatter [tilespmem:s8], [sflag:$0x2], $0xC000, $0x38;
	[tilespmem:$0xC080] =	vst v63  }
0x6d: {  	_ =	swait.ge [sflag:s7], $0xC000  }
0x6e: {  	[sflag:s7] =	ssyncset.done $0x0  }
0x6f: {  	s6 =	sadd.s32 $0xFFFFFFFF, s6;
	[sflag:s7] =	ssyncadd.s32 $0xFFFF4000  }
0x70: {  	_ =	sfence.sel $0x180000  }
0x71: {  	[bflag:$0x0] =	sbarrier.arrive $0xFFFF  }
0x72: {  	_ =	strace $0x90000047  }
0x73: {  	s0 =	stileid.u32;
	[bflag:$0x2] =	sbarrier.arrive $0xFFFF  }
0x74: {  	p0 =	sne.s32 s0, $0x0;
	s0 =	rddreg [dreg:$0x3]  }
0x75: {  	s0 =	sadd.s32 @!p0 $0x100000, s0  }
0x76: {  	[sflag:s0] =	ssyncadd.tile.s32 @!p0 $0x1;
	_ =	shalt  }
.Lfunc_end2:
_tile_overlayer_lowered:
.L_overlay_start_2:
0x77: {  	(tag) =	ssettag $0x2  }
0x78: {  	s0 =	rddreg [dreg:$0x0];
	s2 =	stileid.u32  }
0x79: {  	s1 =	rddreg [dreg:$0x1];
	p0 =	sne.s32 s2, $0x0  }
0x7a: {  	s3 =	rddreg [dreg:$0x2];
	[bflag:$0x3] =	sbarrier.arrive $0xFFFF;
	s2 =	simm.s32 @!p0 $0x1C02  }
0x7b: {  	[timem:s3], [sflag:s2] =	dma.local @!p0 [hbm:s0], s1  }
0x7c: {  	s0 =	simm.s32 @!p0 $0x2  }
0x7d: {  	_ =	swait.ge @!p0 [sflag:s0], s1  }
0x7e: {  	s1 =	ssub.s32 @!p0 $0x0, s1;
	[sflag:s0] =	ssyncset.done @!p0 $0x0  }
0x7f: {  	[sflag:s0] =	ssyncadd.s32 @!p0 s1  }
0x80: {  	[bflag:$0x3] =	sbarrier.arrive $0xFFFF  }
0x81: {  	_ =	shalt  }

</sc_bundles>
